<compile_context>
chip_gen: v7x
topology: tpu7x:2x2x1
jax: 0.10.2.dev20260603
libtpu: 0.0.44.dev20260713+nightly
codegen_flags: <defaults>
</compile_context>

<pallas_src>
import functools

import jax
import jax.numpy as jnp
from jax import lax
from jax.experimental import pallas as pl
from jax.experimental.pallas import tpu as pltpu
from jax.experimental.pallas import tpu_sc as plsc

VOCAB = 1000
BATCH = 4096
SEQ = 20
B = BATCH * SEQ
NW = 32
BPW = B // NW
K = 32
CH = BPW // K

_mesh = plsc.VectorSubcoreMesh(core_axis_name="c", subcore_axis_name="s")


@functools.partial(
    pl.kernel,
    mesh=_mesh,
    compiler_params=pltpu.CompilerParams(use_tc_tiling_on_sc=False),
    out_type=jax.ShapeDtypeStruct((B, VOCAB), jnp.float32),
    scratch_types=[
        pltpu.VMEM((BPW,), jnp.int32),
        pltpu.VMEM((K, VOCAB), jnp.float32),
        pltpu.VMEM((K, VOCAB), jnp.float32),
        pltpu.VMEM_SHARED((VOCAB, VOCAB), jnp.float32),
        pltpu.SemaphoreType.DMA,
        pltpu.SemaphoreType.DMA,
        pltpu.SemaphoreType.DMA,
        pltpu.SemaphoreType.DMA,
    ],
)
def _sc_gather(table_hbm, idx_hbm, out_hbm, idx_v, buf0, buf1, table_sp,
               gsem0, gsem1, ssem0, ssem1):
    cid = lax.axis_index("c")
    sid = lax.axis_index("s")
    wid = sid * 2 + cid
    base = wid * BPW
    pltpu.sync_copy(idx_hbm.at[pl.ds(base, BPW)], idx_v)

    @pl.when(sid < 10)
    def _load_table():
        pltpu.sync_copy(
            table_hbm.at[pl.ds(sid * 100, 100)],
            table_sp.at[pl.ds(sid * 100, 100)],
        )

    plsc.subcore_barrier()

    bufs = (buf0, buf1)
    gsems = (gsem0, gsem1)
    ssems = (ssem0, ssem1)

    def gstart(b, j):
        pltpu.async_copy(
            table_sp.at[idx_v.at[pl.ds(j * K, K)]], bufs[b], gsems[b]
        )

    def gwait(b):
        pltpu.make_async_copy(
            table_sp.at[idx_v.at[pl.ds(0, K)]], bufs[b], gsems[b]
        ).wait()

    def sstart(b, j):
        pltpu.async_copy(bufs[b], out_hbm.at[pl.ds(base + j * K, K)], ssems[b])

    def swait(b):
        pltpu.make_async_copy(
            bufs[b], out_hbm.at[pl.ds(base, K)], ssems[b]
        ).wait()

    gstart(0, 0)
    gwait(0)
    sstart(0, 0)
    gstart(1, 1)

    def pair(p, carry):
        j = 2 * p + 1
        gwait(1)
        sstart(1, j)
        swait(0)
        gstart(0, j + 1)
        gwait(0)
        sstart(0, j + 1)
        swait(1)
        gstart(1, j + 2)
        return carry

    lax.fori_loop(0, CH // 2 - 1, pair, 0)

    gwait(1)
    sstart(1, CH - 1)
    swait(0)
    swait(1)


def kernel(x_ids, logits_table):
    idx = x_ids.reshape(-1).astype(jnp.int32)
    out = _sc_gather(logits_table, idx)
    return out.reshape(x_ids.shape + (VOCAB,))

# --- scband reference (transcript-rebuilt; emitter-appended) ---
"""Pipeline reference for scband-torch-bigram-lm-75986561401056 (READ-ONLY COPY).

The authoritative reference and input builder live on the scoring server;
editing this copy changes nothing except your own understanding.
"""

import jax, jax.numpy as jnp
import numpy as np

VOCAB = 1000
BATCH = 4096
SEQ = 20

def setup_inputs(seed: int = 0) -> dict:
    key = jax.random.key(seed)
    k_idx, k_tbl = jax.random.split(key)
    x_ids = jax.random.randint(k_idx, (BATCH, SEQ), 0, VOCAB, dtype=jnp.int64 if jax.config.jax_enable_x64 else jnp.int32)
    logits_table = jax.random.normal(k_tbl, (VOCAB, VOCAB), dtype=jnp.float32) * 0.01
    return {"x_ids": x_ids, "logits_table": logits_table}

def reference(x_ids, logits_table):
    # TorchBigramLM.forward: row gather from the [vocab, vocab] logits table
    return jnp.take(logits_table, x_ids, axis=0)

if __name__ == "__main__":
    import jax
    _d = setup_inputs()
    print(jax.jit(kernel)(*tuple(_d.values())))

</pallas_src>

<mosaic_0001>
#map = affine_map<(d0, d1) -> (0, 0)>
#map1 = affine_map<(d0, d1) -> (0)>
module attributes {stable_mosaic.version = 14 : i64} {
  func.func @_sc_gather(%arg0: i32, %arg1: i32, %arg2: memref<1000x1000xf32, #tpu.memory_space<hbm>>, %arg3: memref<81920xi32, #tpu.memory_space<hbm>>, %arg4: memref<81920x1000xf32, #tpu.memory_space<hbm>>, %arg5: memref<2560xi32, #tpu.memory_space<vmem>>, %arg6: memref<32x1000xf32, #tpu.memory_space<vmem>>, %arg7: memref<32x1000xf32, #tpu.memory_space<vmem>>, %arg8: memref<1000x1000xf32, #tpu.memory_space<vmem_shared>>, %arg9: memref<!tpu.dma_semaphore, #tpu.memory_space<semaphore_mem>>, %arg10: memref<!tpu.dma_semaphore, #tpu.memory_space<semaphore_mem>>, %arg11: memref<!tpu.dma_semaphore, #tpu.memory_space<semaphore_mem>>, %arg12: memref<!tpu.dma_semaphore, #tpu.memory_space<semaphore_mem>>) attributes {dimension_semantics = [#tpu.dimension_semantics<core_parallel>, #tpu.dimension_semantics<subcore_parallel>], iteration_bounds = array<i64: 2, 16>, scalar_prefetch = 0 : i64, scratch_operands = 8 : i64, tpu.core_type = #tpu.core_type<sc_vector_subcore>, window_params = [{transform_indices = #map}, {transform_indices = #map1}, {transform_indices = #map}]} {
    %mul3A = arith.constant 2 : i32
    %mul3A_0 = arith.muli %arg1, %mul3A : i32
    %add3A = arith.addi %mul3A_0, %arg0 : i32
    %mul3A_1 = arith.constant 2560 : i32
    %mul3A_2 = arith.muli %add3A, %mul3A_1 : i32
    "tpu.region"() ({
      %run_scoped3A = tpu.sem_alloc : memref<!tpu.dma_semaphore, #tpu.memory_space<semaphore_mem>>
      %dma_start3A_48 = tpu.memref_slice %arg3[%mul3A_2] : memref<81920xi32, #tpu.memory_space<hbm>> -> memref<2560xi32, #tpu.memory_space<hbm>>
      %dma_start3A_49 = tpu.memref_slice %arg3[%mul3A_2] : memref<81920xi32, #tpu.memory_space<hbm>> -> memref<2560xi32, #tpu.memory_space<hbm>>
      tpu.enqueue_dma source(%dma_start3A_49 : memref<2560xi32, #tpu.memory_space<hbm>>) target(%arg5 : memref<2560xi32, #tpu.memory_space<vmem>>) target_semaphore(%run_scoped3A : memref<!tpu.dma_semaphore, #tpu.memory_space<semaphore_mem>>)
      %dma_wait3A_50 = tpu.memref_slice %arg3[%mul3A_2] : memref<81920xi32, #tpu.memory_space<hbm>> -> memref<2560xi32, #tpu.memory_space<hbm>>
      %dma_wait3A_51 = tpu.memref_slice %arg3[%mul3A_2] : memref<81920xi32, #tpu.memory_space<hbm>> -> memref<2560xi32, #tpu.memory_space<hbm>>
      tpu.wait_dma2 semaphore(%run_scoped3A : memref<!tpu.dma_semaphore, #tpu.memory_space<semaphore_mem>>) src(%dma_wait3A_51 : memref<2560xi32, #tpu.memory_space<hbm>>) dst(%arg5 : memref<2560xi32, #tpu.memory_space<vmem>>)
      tpu.yield
    }) : () -> ()
    %lt3A = arith.constant 10 : i32
    %lt3A_3 = arith.cmpi slt, %arg1, %lt3A : i32
    %convert_element_type3A = arith.extui %lt3A_3 : i1 to i32
    %cond3A = arith.constant 0 : i32
    %cond3A_4 = arith.cmpi ne, %convert_element_type3A, %cond3A : i32
    scf.if %cond3A_4 {
      %mul3A_48 = arith.constant 100 : i32
      %mul3A_49 = arith.muli %arg1, %mul3A_48 : i32
      %mul3A_50 = arith.constant 100 : i32
      %mul3A_51 = arith.muli %arg1, %mul3A_50 : i32
      "tpu.region"() ({
        %run_scoped3A = tpu.sem_alloc : memref<!tpu.dma_semaphore, #tpu.memory_space<semaphore_mem>>
        %dma_start3A_52 = arith.constant 0 : i32
        %dma_start3A_53 = tpu.memref_slice %arg8[%mul3A_51, %dma_start3A_52] : memref<1000x1000xf32, #tpu.memory_space<vmem_shared>> -> memref<100x1000xf32, #tpu.memory_space<vmem_shared>>
        %dma_start3A_54 = arith.constant 0 : i32
        %dma_start3A_55 = tpu.memref_slice %arg2[%mul3A_49, %dma_start3A_54] : memref<1000x1000xf32, #tpu.memory_space<hbm>> -> memref<100x1000xf32, #tpu.memory_space<hbm>>
        tpu.enqueue_dma source(%dma_start3A_55 : memref<100x1000xf32, #tpu.memory_space<hbm>>) target(%dma_start3A_53 : memref<100x1000xf32, #tpu.memory_space<vmem_shared>>) target_semaphore(%run_scoped3A : memref<!tpu.dma_semaphore, #tpu.memory_space<semaphore_mem>>)
        %dma_wait3A_56 = arith.constant 0 : i32
        %dma_wait3A_57 = tpu.memref_slice %arg8[%mul3A_51, %dma_wait3A_56] : memref<1000x1000xf32, #tpu.memory_space<vmem_shared>> -> memref<100x1000xf32, #tpu.memory_space<vmem_shared>>
        %dma_wait3A_58 = arith.constant 0 : i32
        %dma_wait3A_59 = tpu.memref_slice %arg2[%mul3A_49, %dma_wait3A_58] : memref<1000x1000xf32, #tpu.memory_space<hbm>> -> memref<100x1000xf32, #tpu.memory_space<hbm>>
        tpu.wait_dma2 semaphore(%run_scoped3A : memref<!tpu.dma_semaphore, #tpu.memory_space<semaphore_mem>>) src(%dma_wait3A_59 : memref<100x1000xf32, #tpu.memory_space<hbm>>) dst(%dma_wait3A_57 : memref<100x1000xf32, #tpu.memory_space<vmem_shared>>)
        tpu.yield
      }) : () -> ()
    } else {
    }
    %barrier3A = arith.constant 0 : index
    tpu.barrier barrier_id(%barrier3A)
    %dma_start3A = arith.constant 0 : i32
    %dma_start3A_5 = tpu.memref_slice %arg5[%dma_start3A] : memref<2560xi32, #tpu.memory_space<vmem>> -> memref<32xi32, #tpu.memory_space<vmem>>
    %dma_start3A_6 = arith.constant 0 : i32
    %dma_start3A_7 = arith.constant 0 : i32
    %dma_start3A_8 = tpu.memref_slice %arg8[%dma_start3A_6, %dma_start3A_7] : memref<1000x1000xf32, #tpu.memory_space<vmem_shared>> -> memref<1000x1000xf32, #tpu.memory_space<vmem_shared>>
    tpu.enqueue_indirect_dma source(%dma_start3A_8 : memref<1000x1000xf32, #tpu.memory_space<vmem_shared>>) target(%arg6 : memref<32x1000xf32, #tpu.memory_space<vmem>>) offsets(%dma_start3A_5 : memref<32xi32, #tpu.memory_space<vmem>>) semaphore(%arg9 : memref<!tpu.dma_semaphore, #tpu.memory_space<semaphore_mem>>)
    %dma_wait3A = arith.constant 0 : i32
    %dma_wait3A_9 = tpu.memref_slice %arg5[%dma_wait3A] : memref<2560xi32, #tpu.memory_space<vmem>> -> memref<32xi32, #tpu.memory_space<vmem>>
    %dma_wait3A_10 = arith.constant 0 : i32
    %dma_wait3A_11 = arith.constant 0 : i32
    %dma_wait3A_12 = tpu.memref_slice %arg8[%dma_wait3A_10, %dma_wait3A_11] : memref<1000x1000xf32, #tpu.memory_space<vmem_shared>> -> memref<1000x1000xf32, #tpu.memory_space<vmem_shared>>
    tpu.wait_indirect_dma semaphore(%arg9 : memref<!tpu.dma_semaphore, #tpu.memory_space<semaphore_mem>>) src(%dma_wait3A_12 : memref<1000x1000xf32, #tpu.memory_space<vmem_shared>>) dst(%arg6 : memref<32x1000xf32, #tpu.memory_space<vmem>>)
    %add3A_13 = arith.constant 0 : i32
    %add3A_14 = arith.addi %mul3A_2, %add3A_13 : i32
    %dma_start3A_15 = arith.constant 0 : i32
    %dma_start3A_16 = tpu.memref_slice %arg4[%add3A_14, %dma_start3A_15] : memref<81920x1000xf32, #tpu.memory_space<hbm>> -> memref<32x1000xf32, #tpu.memory_space<hbm>>
    %dma_start3A_17 = arith.constant 0 : i32
    %dma_start3A_18 = tpu.memref_slice %arg4[%add3A_14, %dma_start3A_17] : memref<81920x1000xf32, #tpu.memory_space<hbm>> -> memref<32x1000xf32, #tpu.memory_space<hbm>>
    tpu.enqueue_dma source(%arg6 : memref<32x1000xf32, #tpu.memory_space<vmem>>) target(%dma_start3A_18 : memref<32x1000xf32, #tpu.memory_space<hbm>>) target_semaphore(%arg11 : memref<!tpu.dma_semaphore, #tpu.memory_space<semaphore_mem>>)
    %dma_start3A_19 = arith.constant 32 : i32
    %dma_start3A_20 = tpu.memref_slice %arg5[%dma_start3A_19] : memref<2560xi32, #tpu.memory_space<vmem>> -> memref<32xi32, #tpu.memory_space<vmem>>
    %dma_start3A_21 = arith.constant 0 : i32
    %dma_start3A_22 = arith.constant 0 : i32
    %dma_start3A_23 = tpu.memref_slice %arg8[%dma_start3A_21, %dma_start3A_22] : memref<1000x1000xf32, #tpu.memory_space<vmem_shared>> -> memref<1000x1000xf32, #tpu.memory_space<vmem_shared>>
    tpu.enqueue_indirect_dma source(%dma_start3A_23 : memref<1000x1000xf32, #tpu.memory_space<vmem_shared>>) target(%arg7 : memref<32x1000xf32, #tpu.memory_space<vmem>>) offsets(%dma_start3A_20 : memref<32xi32, #tpu.memory_space<vmem>>) semaphore(%arg10 : memref<!tpu.dma_semaphore, #tpu.memory_space<semaphore_mem>>)
    %scan3A = arith.constant 0 : i32
    %scan3A_24 = arith.constant 0 : i32
    %scan3A_25 = arith.constant 39 : i32
    %scan3A_26 = arith.addi %scan3A_24, %scan3A_25 : i32
    %scan3A_27 = arith.constant 1 : i32
    scf.for %scan3A_48 = %scan3A_24 to %scan3A_26 step %scan3A_27  : i32 {
      %mul3A_49 = arith.constant 2 : i32
      %mul3A_50 = arith.muli %mul3A_49, %scan3A_48 : i32
      %add3A_51 = arith.constant 1 : i32
      %add3A_52 = arith.addi %mul3A_50, %add3A_51 : i32
      %dma_wait3A_53 = arith.constant 0 : i32
      %dma_wait3A_54 = tpu.memref_slice %arg5[%dma_wait3A_53] : memref<2560xi32, #tpu.memory_space<vmem>> -> memref<32xi32, #tpu.memory_space<vmem>>
      %dma_wait3A_55 = arith.constant 0 : i32
      %dma_wait3A_56 = arith.constant 0 : i32
      %dma_wait3A_57 = tpu.memref_slice %arg8[%dma_wait3A_55, %dma_wait3A_56] : memref<1000x1000xf32, #tpu.memory_space<vmem_shared>> -> memref<1000x1000xf32, #tpu.memory_space<vmem_shared>>
      tpu.wait_indirect_dma semaphore(%arg10 : memref<!tpu.dma_semaphore, #tpu.memory_space<semaphore_mem>>) src(%dma_wait3A_57 : memref<1000x1000xf32, #tpu.memory_space<vmem_shared>>) dst(%arg7 : memref<32x1000xf32, #tpu.memory_space<vmem>>)
      %mul3A_58 = arith.constant 32 : i32
      %mul3A_59 = arith.muli %add3A_52, %mul3A_58 : i32
      %add3A_60 = arith.addi %mul3A_2, %mul3A_59 : i32
      %dma_start3A_61 = arith.constant 0 : i32
      %dma_start3A_62 = tpu.memref_slice %arg4[%add3A_60, %dma_start3A_61] : memref<81920x1000xf32, #tpu.memory_space<hbm>> -> memref<32x1000xf32, #tpu.memory_space<hbm>>
      %dma_start3A_63 = arith.constant 0 : i32
      %dma_start3A_64 = tpu.memref_slice %arg4[%add3A_60, %dma_start3A_63] : memref<81920x1000xf32, #tpu.memory_space<hbm>> -> memref<32x1000xf32, #tpu.memory_space<hbm>>
      tpu.enqueue_dma source(%arg7 : memref<32x1000xf32, #tpu.memory_space<vmem>>) target(%dma_start3A_64 : memref<32x1000xf32, #tpu.memory_space<hbm>>) target_semaphore(%arg12 : memref<!tpu.dma_semaphore, #tpu.memory_space<semaphore_mem>>)
      %dma_wait3A_65 = arith.constant 0 : i32
      %dma_wait3A_66 = tpu.memref_slice %arg4[%mul3A_2, %dma_wait3A_65] : memref<81920x1000xf32, #tpu.memory_space<hbm>> -> memref<32x1000xf32, #tpu.memory_space<hbm>>
      %dma_wait3A_67 = arith.constant 0 : i32
      %dma_wait3A_68 = tpu.memref_slice %arg4[%mul3A_2, %dma_wait3A_67] : memref<81920x1000xf32, #tpu.memory_space<hbm>> -> memref<32x1000xf32, #tpu.memory_space<hbm>>
      tpu.wait_dma2 semaphore(%arg11 : memref<!tpu.dma_semaphore, #tpu.memory_space<semaphore_mem>>) src(%arg6 : memref<32x1000xf32, #tpu.memory_space<vmem>>) dst(%dma_wait3A_68 : memref<32x1000xf32, #tpu.memory_space<hbm>>)
      %add3A_69 = arith.constant 1 : i32
      %add3A_70 = arith.addi %add3A_52, %add3A_69 : i32
      %mul3A_71 = arith.constant 32 : i32
      %mul3A_72 = arith.muli %add3A_70, %mul3A_71 : i32
      %dma_start3A_73 = tpu.memref_slice %arg5[%mul3A_72] : memref<2560xi32, #tpu.memory_space<vmem>> -> memref<32xi32, #tpu.memory_space<vmem>>
      %dma_start3A_74 = arith.constant 0 : i32
      %dma_start3A_75 = arith.constant 0 : i32
      %dma_start3A_76 = tpu.memref_slice %arg8[%dma_start3A_74, %dma_start3A_75] : memref<1000x1000xf32, #tpu.memory_space<vmem_shared>> -> memref<1000x1000xf32, #tpu.memory_space<vmem_shared>>
      tpu.enqueue_indirect_dma source(%dma_start3A_76 : memref<1000x1000xf32, #tpu.memory_space<vmem_shared>>) target(%arg6 : memref<32x1000xf32, #tpu.memory_space<vmem>>) offsets(%dma_start3A_73 : memref<32xi32, #tpu.memory_space<vmem>>) semaphore(%arg9 : memref<!tpu.dma_semaphore, #tpu.memory_space<semaphore_mem>>)
      %dma_wait3A_77 = arith.constant 0 : i32
      %dma_wait3A_78 = tpu.memref_slice %arg5[%dma_wait3A_77] : memref<2560xi32, #tpu.memory_space<vmem>> -> memref<32xi32, #tpu.memory_space<vmem>>
      %dma_wait3A_79 = arith.constant 0 : i32
      %dma_wait3A_80 = arith.constant 0 : i32
      %dma_wait3A_81 = tpu.memref_slice %arg8[%dma_wait3A_79, %dma_wait3A_80] : memref<1000x1000xf32, #tpu.memory_space<vmem_shared>> -> memref<1000x1000xf32, #tpu.memory_space<vmem_shared>>
      tpu.wait_indirect_dma semaphore(%arg9 : memref<!tpu.dma_semaphore, #tpu.memory_space<semaphore_mem>>) src(%dma_wait3A_81 : memref<1000x1000xf32, #tpu.memory_space<vmem_shared>>) dst(%arg6 : memref<32x1000xf32, #tpu.memory_space<vmem>>)
      %add3A_82 = arith.constant 1 : i32
      %add3A_83 = arith.addi %add3A_52, %add3A_82 : i32
      %mul3A_84 = arith.constant 32 : i32
      %mul3A_85 = arith.muli %add3A_83, %mul3A_84 : i32
      %add3A_86 = arith.addi %mul3A_2, %mul3A_85 : i32
      %dma_start3A_87 = arith.constant 0 : i32
      %dma_start3A_88 = tpu.memref_slice %arg4[%add3A_86, %dma_start3A_87] : memref<81920x1000xf32, #tpu.memory_space<hbm>> -> memref<32x1000xf32, #tpu.memory_space<hbm>>
      %dma_start3A_89 = arith.constant 0 : i32
      %dma_start3A_90 = tpu.memref_slice %arg4[%add3A_86, %dma_start3A_89] : memref<81920x1000xf32, #tpu.memory_space<hbm>> -> memref<32x1000xf32, #tpu.memory_space<hbm>>
      tpu.enqueue_dma source(%arg6 : memref<32x1000xf32, #tpu.memory_space<vmem>>) target(%dma_start3A_90 : memref<32x1000xf32, #tpu.memory_space<hbm>>) target_semaphore(%arg11 : memref<!tpu.dma_semaphore, #tpu.memory_space<semaphore_mem>>)
      %dma_wait3A_91 = arith.constant 0 : i32
      %dma_wait3A_92 = tpu.memref_slice %arg4[%mul3A_2, %dma_wait3A_91] : memref<81920x1000xf32, #tpu.memory_space<hbm>> -> memref<32x1000xf32, #tpu.memory_space<hbm>>
      %dma_wait3A_93 = arith.constant 0 : i32
      %dma_wait3A_94 = tpu.memref_slice %arg4[%mul3A_2, %dma_wait3A_93] : memref<81920x1000xf32, #tpu.memory_space<hbm>> -> memref<32x1000xf32, #tpu.memory_space<hbm>>
      tpu.wait_dma2 semaphore(%arg12 : memref<!tpu.dma_semaphore, #tpu.memory_space<semaphore_mem>>) src(%arg7 : memref<32x1000xf32, #tpu.memory_space<vmem>>) dst(%dma_wait3A_94 : memref<32x1000xf32, #tpu.memory_space<hbm>>)
      %add3A_95 = arith.constant 2 : i32
      %add3A_96 = arith.addi %add3A_52, %add3A_95 : i32
      %mul3A_97 = arith.constant 32 : i32
      %mul3A_98 = arith.muli %add3A_96, %mul3A_97 : i32
      %dma_start3A_99 = tpu.memref_slice %arg5[%mul3A_98] : memref<2560xi32, #tpu.memory_space<vmem>> -> memref<32xi32, #tpu.memory_space<vmem>>
      %dma_start3A_100 = arith.constant 0 : i32
      %dma_start3A_101 = arith.constant 0 : i32
      %dma_start3A_102 = tpu.memref_slice %arg8[%dma_start3A_100, %dma_start3A_101] : memref<1000x1000xf32, #tpu.memory_space<vmem_shared>> -> memref<1000x1000xf32, #tpu.memory_space<vmem_shared>>
      tpu.enqueue_indirect_dma source(%dma_start3A_102 : memref<1000x1000xf32, #tpu.memory_space<vmem_shared>>) target(%arg7 : memref<32x1000xf32, #tpu.memory_space<vmem>>) offsets(%dma_start3A_99 : memref<32xi32, #tpu.memory_space<vmem>>) semaphore(%arg10 : memref<!tpu.dma_semaphore, #tpu.memory_space<semaphore_mem>>)
    }
    %scan3A_28 = arith.constant 39 : i32
    %dma_wait3A_29 = arith.constant 0 : i32
    %dma_wait3A_30 = tpu.memref_slice %arg5[%dma_wait3A_29] : memref<2560xi32, #tpu.memory_space<vmem>> -> memref<32xi32, #tpu.memory_space<vmem>>
    %dma_wait3A_31 = arith.constant 0 : i32
    %dma_wait3A_32 = arith.constant 0 : i32
    %dma_wait3A_33 = tpu.memref_slice %arg8[%dma_wait3A_31, %dma_wait3A_32] : memref<1000x1000xf32, #tpu.memory_space<vmem_shared>> -> memref<1000x1000xf32, #tpu.memory_space<vmem_shared>>
    tpu.wait_indirect_dma semaphore(%arg10 : memref<!tpu.dma_semaphore, #tpu.memory_space<semaphore_mem>>) src(%dma_wait3A_33 : memref<1000x1000xf32, #tpu.memory_space<vmem_shared>>) dst(%arg7 : memref<32x1000xf32, #tpu.memory_space<vmem>>)
    %add3A_34 = arith.constant 2528 : i32
    %add3A_35 = arith.addi %mul3A_2, %add3A_34 : i32
    %dma_start3A_36 = arith.constant 0 : i32
    %dma_start3A_37 = tpu.memref_slice %arg4[%add3A_35, %dma_start3A_36] : memref<81920x1000xf32, #tpu.memory_space<hbm>> -> memref<32x1000xf32, #tpu.memory_space<hbm>>
    %dma_start3A_38 = arith.constant 0 : i32
    %dma_start3A_39 = tpu.memref_slice %arg4[%add3A_35, %dma_start3A_38] : memref<81920x1000xf32, #tpu.memory_space<hbm>> -> memref<32x1000xf32, #tpu.memory_space<hbm>>
    tpu.enqueue_dma source(%arg7 : memref<32x1000xf32, #tpu.memory_space<vmem>>) target(%dma_start3A_39 : memref<32x1000xf32, #tpu.memory_space<hbm>>) target_semaphore(%arg12 : memref<!tpu.dma_semaphore, #tpu.memory_space<semaphore_mem>>)
    %dma_wait3A_40 = arith.constant 0 : i32
    %dma_wait3A_41 = tpu.memref_slice %arg4[%mul3A_2, %dma_wait3A_40] : memref<81920x1000xf32, #tpu.memory_space<hbm>> -> memref<32x1000xf32, #tpu.memory_space<hbm>>
    %dma_wait3A_42 = arith.constant 0 : i32
    %dma_wait3A_43 = tpu.memref_slice %arg4[%mul3A_2, %dma_wait3A_42] : memref<81920x1000xf32, #tpu.memory_space<hbm>> -> memref<32x1000xf32, #tpu.memory_space<hbm>>
    tpu.wait_dma2 semaphore(%arg11 : memref<!tpu.dma_semaphore, #tpu.memory_space<semaphore_mem>>) src(%arg6 : memref<32x1000xf32, #tpu.memory_space<vmem>>) dst(%dma_wait3A_43 : memref<32x1000xf32, #tpu.memory_space<hbm>>)
    %dma_wait3A_44 = arith.constant 0 : i32
    %dma_wait3A_45 = tpu.memref_slice %arg4[%mul3A_2, %dma_wait3A_44] : memref<81920x1000xf32, #tpu.memory_space<hbm>> -> memref<32x1000xf32, #tpu.memory_space<hbm>>
    %dma_wait3A_46 = arith.constant 0 : i32
    %dma_wait3A_47 = tpu.memref_slice %arg4[%mul3A_2, %dma_wait3A_46] : memref<81920x1000xf32, #tpu.memory_space<hbm>> -> memref<32x1000xf32, #tpu.memory_space<hbm>>
    tpu.wait_dma2 semaphore(%arg12 : memref<!tpu.dma_semaphore, #tpu.memory_space<semaphore_mem>>) src(%arg7 : memref<32x1000xf32, #tpu.memory_space<vmem>>) dst(%dma_wait3A_47 : memref<32x1000xf32, #tpu.memory_space<hbm>>)
    return
  }
}

</mosaic_0001>

<sc_bundles>
// kernel: kernel.3.cloned.1.call-start
scs
__scs_entry_jumppad:
0x0: {  	(pc) =	sbr.rel $0x88, $3  }
0x1: {  	(tag) =	ssettag $0x0;
	lr =	simm.s32 $0x1  }
0x2: {  	[smem:$0x3F9F] =	sst lr;
	_ =	strace $0xD0000000  }
0x3: {  	_ = 	snop  }
0x4: {  	_ = 	snop  }
0x5: {  	_ = 	snop  }
0x6: {  	_ = 	snop  }
0x7: {  	_ = 	snop  }
__scs_overlays_trampoline_lowered:
0x8: {  	[smem:$0x3FAE] =	sst s0  }
0x9: {  	[smem:$0x3FAF] =	sst s1  }
0xa: {  	[smem:$0x3FB0] =	sst s2  }
0xb: {  	[smem:$0x3FB1] =	sst s3  }
0xc: {  	[smem:$0x3FB2] =	sst s4  }
0xd: {  	[smem:$0x3FB3] =	sst s5  }
0xe: {  	[smem:$0x3FB4] =	sst s6  }
0xf: {  	[smem:$0x3FB5] =	sst s7  }
0x10: {  	[smem:$0x3FB6] =	sst s8  }
0x11: {  	[smem:$0x3FB7] =	sst s9;
	s0 =	simm.s32 @!p0 $0x0  }
0x12: {  	s1 =	sld [smem:$0x3F9D];
	s0 =	simm.s32 @p0 $0x1  }
0x13: {  	[smem:$0x3FB8] =	sst s0;
	s0 =	simm.s32 @!p1 $0x0  }
0x14: {  	s2 =	sld [smem:$0x3F9C];
	s0 =	simm.s32 @p1 $0x1  }
0x15: {  	[smem:$0x3FB9] =	sst s0;
	s0 =	simm.s32 @!p2 $0x0  }
0x16: {  	s3 =	sld [smem:$0x3FDB];
	s0 =	simm.s32 @p2 $0x1  }
0x17: {  	s4 =	simm.s32 $0x1BF5;
	[smem:$0x3FBB] =	sst s0  }
0x18: {  	s0 =	sld [smem:$0x3F9E];
	_ =	swait.ge [sflag:s4], $0x0  }
0x19: {  	s7 =	sld [smem:$0x3F9F]  }
0x1a: {  	s8 =	sadd.s32 $0xFFFFE003, lr  }
0x1b: {  	s9 =	sadd.s32 $0xFFFFFEF7, lr;
	s5 =	simm.s32 $0xFFFFFFFF;
	p2 =	slt.u32 s8, $0xFFFFF086  }
0x1c: {  	p1 =	slt.u32 s9, $0xF7A;
	s5 =	simm.s32 @!p2 $0x0  }
0x1d: {  	s5 =	simm.s32 @p1 $0x1;
	p0 =	seq.s32 s7, s2  }
0x1e: {  	s7 =	smul.u32 @!p0 $0xF7A, s2;
	p2 =	seq.s32 @!p0 s5, $0x0  }
0x1f: {  	s9 =	smul.u32 $0xF7A, s1;
	s8 =	simm.s32 @!p0 $0x1BF5;
	p2 =	por !p2, p0  }
0x20: {  	[sflag:s8] =	ssyncset.s32 @!p0 $0xFFFFF086;
	s6 =	sadd.s32 @!p0 s3, s7;
	s7 =	simm.s32 @!p0 $0x108  }
0x21: {  	s3 =	sadd.s32 s3, s9;
	s6 =	sadd.s32 @!p0 $0x88, s6;
	s7 =	simm.s32 @p2 $0x1082  }
0x22: {  	[simem:s7], [sflag:s8] =	dma.local @!p0 [hbm:s6], $0xF7A  }
0x23: {  	s9 =	sor.u32 $0xD0000000, s2;
	s6 =	simm.s32 $0x108;
	_ =	swait.ge @!p0 [sflag:s8], $0x0  }
0x24: {  	s3 =	sadd.s32 $0x88, s3;
	s6 =	simm.s32 @!p1 $0x1082;
	[sflag:s4] =	ssyncset.s32 $0xFFFFF086  }
0x25: {  	[simem:s6], [sflag:s4] =	dma.local [hbm:s3], $0xF7A  }
0x26: {  	[smem:$0x3F9F] =	sst s1;
	(tag) =	ssettag s2;
	_ =	strace s9  }
0x27: {  	s1 =	sld [smem:$0x3FAF]  }
0x28: {  	s2 =	sld [smem:$0x3FB0]  }
0x29: {  	s4 =	sld [smem:$0x3FB2]  }
0x2a: {  	p0 =	seq.s32 s5, $0x0;
	s5 =	sld [smem:$0x3FB3]  }
0x2b: {  	s6 =	sld [smem:$0x3FB4]  }
0x2c: {  	s7 =	sld [smem:$0x3FB5]  }
0x2d: {  	s3 =	simm.s32 $0x108;
	s8 =	sld [smem:$0x3FB6]  }
0x2e: {  	s3 =	simm.s32 @!p0 $0x1082;
	s9 =	sld [smem:$0x3FB7]  }
0x2f: {  	lr =	sadd.s32 s0, s3;
	s0 =	sld [smem:$0x3FAE]  }
0x30: {  	s3 =	sld [smem:$0x3FB1]  }
0x31: {  	[smem:$0x3FBA] =	sst s10  }
0x32: {  	s10 =	sld [smem:$0x3FB8];
	_ =	sdelay $0x3  }
0x33: {  	p0 =	seq.s32 s10, $0x1;
	s10 =	sld [smem:$0x3FBA];
	_ =	sdelay $0x3  }
0x34: {  	[smem:$0x3FBA] =	sst s10  }
0x35: {  	s10 =	sld [smem:$0x3FB9];
	_ =	sdelay $0x3  }
0x36: {  	p1 =	seq.s32 s10, $0x1;
	s10 =	sld [smem:$0x3FBA];
	_ =	sdelay $0x3  }
0x37: {  	[smem:$0x3FBA] =	sst s10  }
0x38: {  	s10 =	sld [smem:$0x3FBB]  }
0x39: {  	_ = 	snop;
	(pc) =	sbr.ind lr, $3  }
0x3a: {  	_ = 	snop  }
0x3b: {  	_ = 	snop  }
0x3c: {  	p2 =	seq.s32 s10, $0x1;
	s10 =	sld [smem:$0x3FBA]  }
0x3d: {  	_ =	shalt  }
0x3e: {  	_ =	shalt  }
0x3f: {  	_ =	shalt  }
0x40: {  	_ =	shalt  }
0x41: {  	_ =	shalt  }
0x42: {  	_ =	shalt  }
0x43: {  	_ =	shalt  }
0x44: {  	_ =	shalt  }
0x45: {  	_ =	shalt  }
0x46: {  	_ =	shalt  }
0x47: {  	_ =	shalt  }
0x48: {  	_ =	shalt  }
0x49: {  	_ =	shalt  }
0x4a: {  	_ =	shalt  }
0x4b: {  	_ =	shalt  }
0x4c: {  	_ =	shalt  }
0x4d: {  	_ =	shalt  }
0x4e: {  	_ =	shalt  }
0x4f: {  	_ =	shalt  }
0x50: {  	_ =	shalt  }
0x51: {  	_ =	shalt  }
0x52: {  	_ =	shalt  }
0x53: {  	_ =	shalt  }
0x54: {  	_ =	shalt  }
0x55: {  	_ =	shalt  }
0x56: {  	_ =	shalt  }
0x57: {  	_ =	shalt  }
0x58: {  	_ =	shalt  }
0x59: {  	_ =	shalt  }
0x5a: {  	_ =	shalt  }
0x5b: {  	_ =	shalt  }
0x5c: {  	_ =	shalt  }
0x5d: {  	_ =	shalt  }
0x5e: {  	_ =	shalt  }
0x5f: {  	_ =	shalt  }
0x60: {  	_ =	shalt  }
0x61: {  	_ =	shalt  }
0x62: {  	_ =	shalt  }
0x63: {  	_ =	shalt  }
0x64: {  	_ =	shalt  }
0x65: {  	_ =	shalt  }
0x66: {  	_ =	shalt  }
0x67: {  	_ =	shalt  }
0x68: {  	_ =	shalt  }
0x69: {  	_ =	shalt  }
0x6a: {  	_ =	shalt  }
0x6b: {  	_ =	shalt  }
0x6c: {  	_ =	shalt  }
0x6d: {  	_ =	shalt  }
0x6e: {  	_ =	shalt  }
0x6f: {  	_ =	shalt  }
0x70: {  	_ =	shalt  }
0x71: {  	_ =	shalt  }
0x72: {  	_ =	shalt  }
0x73: {  	_ =	shalt  }
0x74: {  	_ =	shalt  }
0x75: {  	_ =	shalt  }
0x76: {  	_ =	shalt  }
0x77: {  	_ =	shalt  }
0x78: {  	_ =	shalt  }
0x79: {  	_ =	shalt  }
0x7a: {  	_ =	shalt  }
0x7b: {  	_ =	shalt  }
0x7c: {  	_ =	shalt  }
0x7d: {  	_ =	shalt  }
0x7e: {  	_ =	shalt  }
0x7f: {  	_ =	shalt  }
0x80: {  	_ =	shalt  }
0x81: {  	_ =	shalt  }
0x82: {  	_ =	shalt  }
0x83: {  	_ =	shalt  }
0x84: {  	_ =	shalt  }
0x85: {  	_ =	shalt  }
0x86: {  	_ =	shalt  }
0x87: {  	_ =	shalt  }
.Lfunc_end0:
.L_simem_size_0:
called_computation.1_lowered:
.L_overlay_start_0:
0x88: {  	s2 =	sld [smem:$0x3FD9]  }
0x89: {  	s3 =	sld [smem:$0x3FFE];
	_ =	sdelay $0x1  }
0x8a: {  	s1 =	srdreg.scid  }
0x8b: {  	s0 =	sand.u32 $0x1, s1  }
0x8c: {  	s17 =	sshll.u32 s0, $0xA;
	s2 =	sadd.s32 s3, s2  }
0x8d: {  	s2 =	sadd.s32 s2, s17  }
0x8e: {  	[smem:$0x3FC6] =	sst s2  }
0x8f: {  	_ = 	snop  }
0x90: {  	s2 =	sld [smem:$0x3FD0];
	(tm) =	ssettm $0x1  }
0x91: {  	s18 =	sld [smem:$0x3FFB];
	_ =	sdelay $0x3  }
0x92: {  	_ =	strace s18  }
0x93: {  	s3 =	sld [smem:$0x3FFC];
	_ =	sdelay $0x3  }
0x94: {  	_ =	strace s3  }
0x95: {  	s3 =	sld [smem:$0x3FFD];
	_ =	sdelay $0x3  }
0x96: {  	_ =	strace s3  }
0x97: {  	_ =	strace $0x8FFFFFFF  }
0x98: {  	s19 =	sld [smem:$0x3FDB];
	_ =	sdelay $0x1  }
0x99: {  	s4 =	simm.s32 $_scs_section_size  }
0x9a: {  	s5 =	simm.s32 $_size__tile_overlayer_lowered;
	s6 =	simm.s32 $_tile_overlayer_lowered  }
0x9b: {  	s22 =	simm.s32 $0x1BFF;
	s21 =	sshll.u32 s6, $0x1;
	s3 =	sadd.s32 s4, s19  }
0x9c: {  	s7 =	simm.s32 $0x0;
	s20 =	sshll.u32 s5, $0x1;
	s5 =	sadd.s32 s21, s3  }
0x9d: {  	[timem:s7], [sflag:s22] =	dma.local [hbm:s5], s20  }
0x9e: {  	_ =	swait.ge [sflag:s22], s20  }
0x9f: {  	s4 =	ssub.s32 $0x0, s20;
	[sflag:s22] =	ssyncset.done $0x0  }
0xa0: {  	[sflag:s22] =	ssyncadd.s32 s4;
	_ =	sdelay $0x1  }
0xa1: {  	s23 =	simm.s32 $0x1B8B  }
0xa2: {  	_ =	swait.ge [sflag:s23], $0x1  }
0xa3: {  	[sflag:s23] =	ssyncset.done $0x0  }
0xa4: {  	s25 =	simm.s32 $0x1B8E;
	s24 =	sld [smem:$0x3FFE];
	[sflag:s23] =	ssyncadd.s32 $0xFFFFFFFF  }
0xa5: {  	s26 =	simm.s32 $execute0_lowered;
	[smem:$0x3FD2] =	sst s25  }
0xa6: {  	s5 =	sshll.u32 s26, $0x1;
	_ =	strace $0x80000046;
	[dreg:$0x1] =	wrdreg $0xFFFFFFFF  }
0xa7: {  	s28 =	simm.s32 $_size_execute0_lowered;
	s3 =	sadd.s32 s3, s5;
	[dreg:$0x0] =	wrdreg $0x0  }
0xa8: {  	s5 =	sshll.u32 s28, $0x1;
	[dreg:$0x2] =	wrdreg s3  }
0xa9: {  	[dreg:$0x3] =	wrdreg s5  }
0xaa: {  	[dreg:$0x4] =	wrdreg $0xC0  }
0xab: {  	_ =	task [dreg:s7], $0x5FFFF  }
0xac: {  	[dreg:$0x1] =	wrdreg $0xFFFFFFFF  }
0xad: {  	[dreg:$0x0] =	wrdreg $0x60  }
0xae: {  	[dreg:$0x2] =	wrdreg s24  }
0xaf: {  	[dreg:$0x3] =	wrdreg s2  }
0xb0: {  	[dreg:$0x4] =	wrdreg $0x104000  }
0xb1: {  	[dreg:$0x5] =	wrdreg $0x9  }
0xb2: {  	_ =	task.clear_ibuf [dreg:s7], $0x6FFFF;
	_ =	strace $0x90000046  }
0xb3: {  	s29 =	simm.s32 $0x9;
	_ =	strace $0x80000048  }
0xb4: {  	_ =	swait.ge [sflag:s29], $0x1  }
0xb5: {  	[sflag:s29] =	ssyncadd.s32 $0xFFFFFFFF  }
0xb6: {  	_ =	strace $0x90000048  }
0xb7: {  	_ =	sfence  }
0xb8: {  	s30 =	sld [smem:$0x0];
	_ =	sdelay $0x2  }
0xb9: {  	s31 =	sshll.u32 s1, $0xD;
	s1 =	sshrl.u32 s1, $0x2  }
0xba: {  	s3 =	sand.u32 $0x4000, s31;
	s1 =	sadd.s32 s1, s30  }
0xbb: {  	s0 =	sor.u32 s3, s0;
	s1 =	sshll.u32 s1, $0x11  }
0xbc: {  	s0 =	sor.u32 s1, s0  }
0xbd: {  	s0 =	sadd.s32 $0x8F2B, s0  }
0xbe: {  	[sflag:s0] =	ssyncadd.remote.s32 $0x1  }
0xbf: {  	_ =	sfence.sel $0xFFFF  }
0xc0: {  	[dreg:$0x0] =	wrdreg $0xFFFFFFFF;
	(pc) =	sbr.abs _section_cstart, $3  }
0xc1: {  	[dreg:$0x1] =	wrdreg $0xFFFFFFFF  }
0xc2: {  	_ =	task.clear_ibuf [dreg:s7], $0x2FFFF;
	_ =	strace $0x9FFFFFFF  }
0xc3: {  	(tm) =	ssettm $0x7FFFFFFF  }
tec
execute0_lowered:
.L_overlay_start_1:
0x0: {  	(tag) =	ssettag $0x1  }
0x1: {  	s4 =	rddreg [dreg:$0x0]  }
0x2: {  	s8 =	rddreg [dreg:$0x1]  }
0x3: {  	s2 =	rddreg [dreg:$0x2];
	s1 =	stileid.u32  }
0x4: {  	s3 =	srdreg.scid;
	s0 =	rddreg [dreg:$0x3];
	s14 =	simm.s32 $0xA00  }
0x5: {  	s15 =	simm.s32 $0x1;
	s16 =	simm.s32 $0x8700;
	s17 =	simm.s32 $0x2  }
0x6: {  	s18 =	simm.s32 $0x3;
	s19 =	simm.s32 $0x4;
	s20 =	simm.s32 $0x0  }
0x7: {  	s7 =	sand.u32 $0x1, s3;
	s5 =	sshll.u32 s1, $0x1;
	s6 =	smul.u32 $0x186A0, s1  }
0x8: {  	s3 =	simm.s32 $0x0;
	s29 =	smul.u32 $0x9C400, s1;
	p0 =	sgt.u32 s1, $0x9  }
0x9: {  	s5 =	sor.u32 s7, s5;
	[smem:$0x7FF] =	sst s3;
	s13 =	smul.u32 $0x4E200, s7  }
0xa: {  	s11 =	ssub.s32 $0x2, s7;
	s9 =	smul.u32 $0xA00, s5;
	_ =	strace $0x80000047  }
0xb: {  	s10 =	sshrl.u32 s6, $0x3;
	s12 =	sshrl.u32 s11, $0x1;
	s25 =	smul.u32 $0x271000, s5  }
0xc: {  	s26 =	smul.u32 $0x4E200, s5;
	s30 =	sadd.s32 s29, s8;
	s10 =	sadd.s32 s10, s4  }
0xd: {  	s24 =	ssub.s32 s11, s12;
	s12 =	sadd.s32 s6, s2;
	s31 =	sadd.s32 s13, s30  }
0xe: {  	s11 =	sshll.u32 @!p0 s1, $0x6;
	s13 =	simm.s32 $0x20;
	s9 =	sshrl.u32 s9, $0x3  }
0xf: {  	s5 =	sadd.s32 $0x3000, s10;
	s28 =	sshrl.u32 s25, $0x3;
	s6 =	sadd.s32 s8, s26  }
0x10: {  	s11 =	sor.u32 @!p0 $0x1C05, s11;
	s12 =	sshrl.u32 @!p0 s12, $0x3;
	s4 =	sadd.s32 s9, s4  }
0x11: {  	s10 =	sadd.s32 s8, s28;
	s8 =	smax.u32 s24, $0x1;
	s9 =	sadd.s32 $0xFA0, s31  }
0x12: {  	s4 =	sadd.s32 $0x800, s4;
	s7 =	sadd.s32 $0x4D260, s10;
	s10 =	simm.s32 $0x5  }
.LBB2_1:
0x13: {  	[tilespmem:s3], [sflag:$0x5] =	stream.linear.gather [hbm4b:s4+s3], $0xA00, $0x38;
	[tilespmem:$0x1F828] =	vst v63  }
0x14: {  	_ =	swait.ge [sflag:s10], $0xA00  }
0x15: {  	[sflag:s10] =	ssyncset.done $0x0  }
0x16: {  	s21 =	simm.s32 @!p0 $0x5;
	[sflag:s10] =	ssyncadd.s32 $0xFFFFF600  }
0x17: {  	[spmem:s12], [sflag:s11] =	dma.local @!p0 [hbm:s5], $0x30D4  }
0x18: {  	_ =	swait.ge @!p0 [sflag:s21], $0x30D4  }
0x19: {  	[sflag:s21] =	ssyncset.done @!p0 $0x0  }
0x1a: {  	[sflag:s21] =	ssyncadd.s32 @!p0 $0xFFFFCF2C  }
0x1b: {  	[bflag:$0x0] =	sbarrier.arrive $0xFFFF  }
0x1c: {  	[tilespmem:s14], [sflag:$0x1] =	stream.indirect.gather [spmem:s2], $0x3E8, s3, s13, $0xb8;
	[tilespmem:$0x1F828] =	vst v63  }
0x1d: {  	_ =	swait.ge [sflag:s15], $0x7D00  }
0x1e: {  	[sflag:s15] =	ssyncset.done $0x0  }
0x1f: {  	[sflag:s15] =	ssyncadd.s32 $0xFFFF8300  }
0x20: {  	[hbm4b:s6+s3] =	stream.linear.scatter [tilespmem:s14], [sflag:$0x3], $0x7D00, $0x38;
	[tilespmem:$0x1F828] =	vst v63  }
0x21: {  	_ = 	snop  }
0x22: {  	[tilespmem:s16], [sflag:$0x2] =	stream.indirect.gather [spmem:s2], $0x3E8, s13, s13, $0xb8;
	[tilespmem:$0x1F828] =	vst v63  }
0x23: {  	_ =	swait.ge [sflag:s17], $0x7D00  }
0x24: {  	[sflag:s17] =	ssyncset.done $0x0  }
0x25: {  	[sflag:s17] =	ssyncadd.s32 $0xFFFF8300  }
0x26: {  	[hbm4b:s9+s3] =	stream.linear.scatter [tilespmem:s16], [sflag:$0x4], $0x7D00, $0x38;
	[tilespmem:$0x1F828] =	vst v63  }
0x27: {  	_ =	swait.ge [sflag:s18], $0x7D00  }
0x28: {  	[sflag:s18] =	ssyncset.done $0x0  }
0x29: {  	s30 =	simm.s32 $0x40;
	[sflag:s18] =	ssyncadd.s32 $0xFFFF8300  }
0x2a: {  	[tilespmem:s14], [sflag:$0x1] =	stream.indirect.gather [spmem:s2], $0x3E8, s30, s13, $0xb8;
	[tilespmem:$0x1F828] =	vst v63  }
0x2b: {  	_ =	swait.ge [sflag:s15], $0x7D00  }
0x2c: {  	[sflag:s15] =	ssyncset.done $0x0  }
0x2d: {  	s31 =	sadd.s32 $0xFA0, s9;
	[sflag:s15] =	ssyncadd.s32 $0xFFFF8300  }
0x2e: {  	[hbm4b:s31+s3] =	stream.linear.scatter [tilespmem:s14], [sflag:$0x3], $0x7D00, $0x38;
	[tilespmem:$0x1F828] =	vst v63  }
0x2f: {  	_ =	swait.ge [sflag:s19], $0x7D00  }
0x30: {  	s23 =	simm.s32 $0x60;
	[sflag:s19] =	ssyncset.done $0x0  }
0x31: {  	s22 =	sadd.s32 $0x1F40, s9;
	s21 =	simm.s32 $0x100;
	[sflag:s19] =	ssyncadd.s32 $0xFFFF8300  }
.LBB2_2:
0x32: {  	[tilespmem:s16], [sflag:$0x2] =	stream.indirect.gather [spmem:s2], $0x3E8, s23, s13, $0xb8;
	[tilespmem:$0x1F828] =	vst v63  }
0x33: {  	s23 =	smov.u32 s21  }
0x34: {  	p1 =	sne.s32 s21, $0x2600;
	s21 =	sadd.s32 $0x100, s21;
	_ =	swait.ge [sflag:s17], $0x7D00  }
0x35: {  	[sflag:s17] =	ssyncset.done $0x0  }
0x36: {  	[sflag:s17] =	ssyncadd.s32 $0xFFFF8300  }
0x37: {  	[hbm4b:s22+s3] =	stream.linear.scatter [tilespmem:s16], [sflag:$0x4], $0x7D00, $0x38;
	[tilespmem:$0x1F828] =	vst v63  }
0x38: {  	_ =	swait.ge [sflag:s18], $0x7D00  }
0x39: {  	s23 =	sshra.s32 s23, $0x2;
	[sflag:s18] =	ssyncset.done $0x0  }
0x3a: {  	s24 =	sadd.s32 $0x40, s23;
	[sflag:s18] =	ssyncadd.s32 $0xFFFF8300  }
0x3b: {  	[tilespmem:s14], [sflag:$0x1] =	stream.indirect.gather [spmem:s2], $0x3E8, s24, s13, $0xb8;
	[tilespmem:$0x1F828] =	vst v63  }
0x3c: {  	_ =	swait.ge [sflag:s15], $0x7D00  }
0x3d: {  	[sflag:s15] =	ssyncset.done $0x0  }
.Ltmp0:
0x3e: {  	s24 =	sadd.s32 $0xFA0, s22;
	[sflag:s15] =	ssyncadd.s32 $0xFFFF8300;
	(pc) =	sbr.rel @p1 .LBB2_2-.Ltmp0, $4  }
0x3f: {  	[hbm4b:s24+s3] =	stream.linear.scatter [tilespmem:s14], [sflag:$0x3], $0x7D00, $0x38;
	[tilespmem:$0x1F828] =	vst v63  }
0x40: {  	_ =	swait.ge [sflag:s19], $0x7D00  }
0x41: {  	[sflag:s19] =	ssyncset.done $0x0  }
0x42: {  	s23 =	sadd.s32 $0x60, s23;
	s22 =	sadd.s32 $0x1F40, s22;
	[sflag:s19] =	ssyncadd.s32 $0xFFFF8300  }
0x43: {  	[tilespmem:s16], [sflag:$0x2] =	stream.indirect.gather [spmem:s2], $0x3E8, s23, s13, $0xb8;
	[tilespmem:$0x1F828] =	vst v63  }
0x44: {  	_ =	swait.ge [sflag:s17], $0x7D00  }
0x45: {  	[sflag:s17] =	ssyncset.done $0x0  }
0x46: {  	s20 =	sadd.s32 $0x1, s20;
	[sflag:s17] =	ssyncadd.s32 $0xFFFF8300  }
0x47: {  	[hbm4b:s7+s3] =	stream.linear.scatter [tilespmem:s16], [sflag:$0x4], $0x7D00, $0x38;
	[tilespmem:$0x1F828] =	vst v63  }
0x48: {  	p1 =	sne.s32 s20, s8;
	_ =	swait.ge [sflag:s18], $0x7D00  }
.Ltmp1:
0x49: {  	[sflag:s18] =	ssyncset.done $0x0;
	(pc) =	sbr.rel @p1 .LBB2_1-.Ltmp1, $4  }
0x4a: {  	[sflag:s18] =	ssyncadd.s32 $0xFFFF8300  }
0x4b: {  	_ =	swait.ge [sflag:s19], $0x7D00  }
0x4c: {  	[sflag:s19] =	ssyncset.done $0x0  }
0x4d: {  	[sflag:s19] =	ssyncadd.s32 $0xFFFF8300  }
0x4e: {  	_ =	sfence.sel $0x180000  }
0x4f: {  	[bflag:$0x0] =	sbarrier.arrive $0xFFFF  }
0x50: {  	p0 =	sne.s32 s1, $0x0;
	_ =	strace $0x90000047  }
0x51: {  	s0 =	sadd.s32 @!p0 $0x100000, s0;
	[bflag:$0x2] =	sbarrier.arrive $0xFFFF  }
0x52: {  	[sflag:s0] =	ssyncadd.tile.s32 @!p0 $0x1;
	_ =	shalt  }
.Lfunc_end2:
_tile_overlayer_lowered:
.L_overlay_start_2:
0x53: {  	(tag) =	ssettag $0x2  }
0x54: {  	s0 =	rddreg [dreg:$0x0];
	s2 =	stileid.u32  }
0x55: {  	s1 =	rddreg [dreg:$0x1];
	p0 =	sne.s32 s2, $0x0  }
0x56: {  	s3 =	rddreg [dreg:$0x2];
	[bflag:$0x3] =	sbarrier.arrive $0xFFFF;
	s2 =	simm.s32 @!p0 $0x1C05  }
0x57: {  	[timem:s3], [sflag:s2] =	dma.local @!p0 [hbm:s0], s1  }
0x58: {  	s0 =	simm.s32 @!p0 $0x5  }
0x59: {  	_ =	swait.ge @!p0 [sflag:s0], s1  }
0x5a: {  	s1 =	ssub.s32 @!p0 $0x0, s1;
	[sflag:s0] =	ssyncset.done @!p0 $0x0  }
0x5b: {  	[sflag:s0] =	ssyncadd.s32 @!p0 s1  }
0x5c: {  	[bflag:$0x3] =	sbarrier.arrive $0xFFFF  }
0x5d: {  	_ =	shalt  }

// kernel: sparse-core-data-format-call.cloned.1.call-start
scs
called_computation_lowered:
.L_overlay_start_0:
0x0: {  	s2 =	sld [smem:$0x3FD9]  }
0x1: {  	s3 =	sld [smem:$0x3FFE];
	_ =	sdelay $0x1  }
0x2: {  	s1 =	srdreg.scid  }
0x3: {  	s0 =	sand.u32 $0x1, s1  }
0x4: {  	s18 =	sshll.u32 s0, $0xA;
	s2 =	sadd.s32 s3, s2  }
0x5: {  	s2 =	sadd.s32 s2, s18  }
0x6: {  	[smem:$0x3FC6] =	sst s2  }
0x7: {  	_ = 	snop  }
0x8: {  	s2 =	sld [smem:$0x3FD0];
	(tm) =	ssettm $0x1  }
0x9: {  	s19 =	sld [smem:$0x3FFB];
	_ =	sdelay $0x3  }
0xa: {  	_ =	strace s19  }
0xb: {  	s3 =	sld [smem:$0x3FFC];
	_ =	sdelay $0x3  }
0xc: {  	_ =	strace s3  }
0xd: {  	s3 =	sld [smem:$0x3FFD];
	_ =	sdelay $0x3  }
0xe: {  	_ =	strace s3  }
0xf: {  	_ =	strace $0x8FFFFFFF  }
0x10: {  	s20 =	sld [smem:$0x3FDB];
	_ =	sdelay $0x1  }
0x11: {  	s4 =	simm.s32 $_scs_section_size  }
0x12: {  	s5 =	simm.s32 $_size__tile_overlayer_lowered;
	s6 =	simm.s32 $_tile_overlayer_lowered  }
0x13: {  	s23 =	simm.s32 $0x1BFF;
	s22 =	sshll.u32 s6, $0x1;
	s3 =	sadd.s32 s4, s20  }
0x14: {  	s7 =	simm.s32 $0x0;
	s21 =	sshll.u32 s5, $0x1;
	s5 =	sadd.s32 s22, s3  }
0x15: {  	[timem:s7], [sflag:s23] =	dma.local [hbm:s5], s21  }
0x16: {  	_ =	swait.ge [sflag:s23], s21  }
0x17: {  	s4 =	ssub.s32 $0x0, s21;
	[sflag:s23] =	ssyncset.done $0x0  }
0x18: {  	[sflag:s23] =	ssyncadd.s32 s4;
	_ =	sdelay $0x1  }
0x19: {  	s24 =	simm.s32 $0x1B8B  }
0x1a: {  	_ =	swait.ge [sflag:s24], $0x1  }
0x1b: {  	[sflag:s24] =	ssyncset.done $0x0  }
0x1c: {  	s26 =	simm.s32 $0x1B8E;
	s25 =	sld [smem:$0x3FFE];
	[sflag:s24] =	ssyncadd.s32 $0xFFFFFFFF  }
0x1d: {  	s27 =	simm.s32 $execute0_lowered;
	[smem:$0x3FD2] =	sst s26  }
0x1e: {  	s5 =	sshll.u32 s27, $0x1;
	_ =	strace $0x80000049;
	[dreg:$0x1] =	wrdreg $0xFFFFFFFF  }
0x1f: {  	s28 =	simm.s32 $_size_execute0_lowered;
	s3 =	sadd.s32 s3, s5;
	[dreg:$0x0] =	wrdreg $0x0  }
0x20: {  	s5 =	sshll.u32 s28, $0x1;
	[dreg:$0x2] =	wrdreg s3  }
0x21: {  	[dreg:$0x3] =	wrdreg s5  }
0x22: {  	[dreg:$0x4] =	wrdreg $0xC0  }
0x23: {  	_ =	task [dreg:s7], $0x5FFFF  }
0x24: {  	[dreg:$0x1] =	wrdreg $0xFFFFFFFF  }
0x25: {  	[dreg:$0x0] =	wrdreg $0x60  }
0x26: {  	[dreg:$0x2] =	wrdreg s25  }
0x27: {  	[dreg:$0x3] =	wrdreg s2  }
0x28: {  	[dreg:$0x4] =	wrdreg $0x9  }
0x29: {  	_ =	task.clear_ibuf [dreg:s7], $0x5FFFF;
	_ =	strace $0x90000049  }
0x2a: {  	s29 =	simm.s32 $0x9;
	_ =	strace $0x8000004B  }
0x2b: {  	_ =	swait.ge [sflag:s29], $0x1  }
0x2c: {  	[sflag:s29] =	ssyncadd.s32 $0xFFFFFFFF  }
0x2d: {  	_ =	strace $0x9000004B  }
0x2e: {  	_ =	sfence  }
0x2f: {  	s30 =	sld [smem:$0x0];
	_ =	sdelay $0x2  }
0x30: {  	s31 =	sshll.u32 s1, $0xD;
	s1 =	sshrl.u32 s1, $0x2  }
0x31: {  	s3 =	sand.u32 $0x4000, s31;
	s1 =	sadd.s32 s1, s30  }
0x32: {  	s0 =	sor.u32 s3, s0;
	s1 =	sshll.u32 s1, $0x11  }
0x33: {  	s0 =	sor.u32 s1, s0  }
0x34: {  	s0 =	sadd.s32 $0x8F2B, s0  }
0x35: {  	[sflag:s0] =	ssyncadd.remote.s32 $0x1  }
0x36: {  	_ =	sfence.sel $0xFFFF  }
0x37: {  	[dreg:$0x0] =	wrdreg $0xFFFFFFFF;
	(pc) =	sbr.abs _section_cstart, $3  }
0x38: {  	[dreg:$0x1] =	wrdreg $0xFFFFFFFF  }
0x39: {  	_ =	task.clear_ibuf [dreg:s7], $0x2FFFF;
	_ =	strace $0x9FFFFFFF  }
0x3a: {  	(tm) =	ssettm $0x7FFFFFFF  }
0x3b: {  	_ =	shalt  }
tec
execute0_lowered:
.L_overlay_start_1:
0x0: {  	(tag) =	ssettag $0x1  }
0x1: {  	s0 =	srdreg.scid;
	s6 =	rddreg [dreg:$0x0]  }
0x2: {  	s3 =	rddreg [dreg:$0x1];
	s1 =	sshll.u32 s0, $0x4  }
0x3: {  	s5 =	simm.s32 $0x1;
	s0 =	stileid.u32;
	s1 =	sand.u32 $0x10, s1  }
0x4: {  	s31 =	simm.s32 $0x2;
	s16 =	simm.s32 $0x0;
	s1 =	sor.u32 s0, s1  }
0x5: {  	s8 =	simm.s32 $0x8000;
	s18 =	simm.s32 $0x0;
	s2 =	sshll.u32 s1, $0x7  }
0x6: {  	s17 =	simm.s32 $0x0;
	s9 =	simm.s32 $0x0;
	s4 =	ssub.s32 $0x1000, s2  }
0x7: {  	s10 =	simm.s32 $0x0;
	s11 =	simm.s32 $0x0;
	s30 =	sand.u32 $0xF80, s4  }
0x8: {  	s12 =	simm.s32 $0x0;
	s13 =	simm.s32 $0x0;
	p0 =	sne.s32 s30, $0x0  }
.Ltmp0:
0x9: {  	s7 =	sshrl.u32 s4, $0xC;
	s5 =	simm.s32 @!p0 $0x0;
	(pc) =	sbr.rel .LBB1_1-.Ltmp0, $4  }
0xa: {  	s15 =	simm.s32 $0x0;
	s1 =	rddreg [dreg:$0x2];
	s5 =	sadd.s32 s5, s7  }
0xb: {  	_ =	strace $0x8000004A;
	s4 =	simm.s32 $0x1;
	s5 =	smul.u32 $0xA0, s5  }
0xc: {  	s6 =	sadd.s32 $0x800, s6;
	s14 =	smov.u32 s2;
	[sflag:s4] =	ssyncpa.u1 $0x0  }
0xd: {  	[sflag:s31] =	ssyncpa.u1 $0x0;
	p0 =	por $0x0, $0x0;
	s7 =	sor.u32 $0x1, s5  }
.LBB1_4:
0xe: {  	s23 =	sshra.s32 s23, $0x2;
	s30 =	sshll.u32 s9, $0xC  }
0xf: {  	p1 =	sgt.s32 s10, $0x13;
	s24 =	smov.u32 s10;
	s25 =	sshra.s32 s10, $0x1F  }
0x10: {  	s26 =	sshll.u32 s11, $0x3;
	s28 =	smov.u32 s11;
	s29 =	sshra.s32 s11, $0x1F  }
0x11: {  	s22 =	sadd.s32 s23, s22;
	s24 =	simm.s32 @!p1 $0x13;
	s25 =	sand.u32 s25, s10  }
0x12: {  	s23 =	sand.u32 $0xFFFF8000, s30;
	s27 =	sand.u32 $0xFFFFFC00, s26;
	p1 =	sgt.s32 s9, $0x368  }
0x13: {  	s31 =	sand.u32 s29, s11;
	s29 =	sshll.u32 s9, $0x7;
	s30 =	sshra.s32 s9, $0x1F  }
0x14: {  	[tilespmem:s21+$0x2040 ss:$0x81] =	vst.msk $0xffff, v4;
	s24 =	ssub.s32 s24, s25;
	s23 =	sadd.s32 s27, s23;
	s27 =	smov.u32 s9  }
0x15: {  	[tilespmem:s21+$0x2850 ss:$0x81] =	vst.msk $0xffff, v3;
	s29 =	sand.u32 $0x380, s29;
	s25 =	sadd.s32 $0xFFFFFFED, s24;
	s27 =	simm.s32 @!p1 $0x368  }
0x16: {  	v5 =	vld [tilespmem:s20+$0xFFFFFFD0];
	[tilespmem:s21+$0x3060 ss:$0x81] =	vst.msk $0xffff, v2;
	p1 =	sgt.s32 s11, $0xF80;
	s23 =	sshrl.u32 s23, $0xC;
	s24 =	ssub.s32 $0x14, s24  }
0x17: {  	v58 =	vld [tilespmem:s20+$0xFFFFFFE0];
	[tilespmem:s21+$0x0 ss:$0x81] =	vst.msk $0xffff, v1;
	s28 =	simm.s32 @!p1 $0xF80;
	p1 =	sgt.s32 s25, $0x0;
	s21 =	smulhi.u32 $0x418938, s23  }
0x18: {  	v59 =	vld [tilespmem:s20+$0xFFFFFFF0];
	s25 =	ssub.s32 s28, s31;
	s28 =	sand.u32 s30, s9;
	s24 =	simm.s32 @p1 $0x0  }
0x19: {  	v60 =	vld [tilespmem:s20+$0x0];
	s27 =	ssub.s32 s27, s28;
	s31 =	sadd.s32 $0xFFFFF080, s25;
	s25 =	ssub.s32 $0x1000, s25  }
0x1a: {  	v61 =	vld [tilespmem:s20+$0x10];
	[tilespmem:s22+$0x3870 ss:$0x81] =	vst.msk $0xffff, v0;
	s21 =	smul.u32 $0x3E8, s21;
	s28 =	sand.u32 $0x7, s11;
	p1 =	sgt.s32 s31, $0x7F  }
0x1b: {  	v62 =	vld [tilespmem:s20+$0x20];
	[tilespmem:s22+$0x810 ss:$0x81] =	vst.msk $0xffff, v5;
	s30 =	sadd.s32 $0xFFFFFC98, s27;
	s31 =	sand.u32 $0x78, s11;
	s25 =	simm.s32 @p1 $0x0  }
0x1c: {  	v63 =	vld [tilespmem:s20+$0xFFFFFFC0];
	[tilespmem:s22+$0x1020 ss:$0x81] =	vst.msk $0xffff, v58;
	p1 =	sgt.s32 s30, $0x7F;
	s30 =	sand.u32 $0xC00, s26;
	s24 =	smul.u32 s25, s24  }
0x1d: {  	[tilespmem:s22+$0x1830 ss:$0x81] =	vst.msk $0xffff, v59;
	s26 =	ssub.s32 $0x3E8, s27;
	s20 =	sor.u32 s31, s30;
	s31 =	smul.u32 $0x7D000, s10  }
0x1e: {  	[tilespmem:s22+$0x2040 ss:$0x81] =	vst.msk $0xffff, v60;
	s21 =	ssub.s32 s23, s21;
	s26 =	simm.s32 @p1 $0x0;
	s20 =	sor.u32 s29, s20  }
0x1f: {  	[tilespmem:s22+$0x2850 ss:$0x81] =	vst.msk $0xffff, v61;
	s26 =	smul.u32 s26, s24;
	s20 =	sshrl.u32 s20, $0x3;
	s27 =	sadd.s32 s3, s31  }
0x20: {  	[tilespmem:s22+$0x3060 ss:$0x81] =	vst.msk $0xffff, v62;
	s21 =	sshll.u32 s21, $0x9;
	s29 =	sshll.u32 s28, $0x12;
	s20 =	sadd.s32 s20, s27  }
0x21: {  	[tilespmem:s22+$0x0 ss:$0x81] =	vst.msk $0xffff, v63;
	s31 =	sor.u32 $0x400, s29;
	s30 =	sand.u32 $0x3FFFFFFF, s26;
	s20 =	sadd.s32 s21, s20  }
0x22: {  	[hbm4b:s20+s31] =	stream.strided.scatter [tilespmem:s19], [sflag:$0x2], s30, s8, s31, $0x20;
	[tilespmem:$0x10100] =	vst v63  }
.LBB1_5:
0x23: {  	p1 =	slt.u32 s15, $0x2  }
0x24: {  	p2 =	sgt.s32 @!p1 s18, $0x13  }
0x25: {  	s19 =	smov.u32 s18;
	s20 =	sshra.s32 @!p1 s18, $0x1F;
	p2 =	por !p2, p1  }
0x26: {  	s18 =	sand.u32 @!p1 s20, s18;
	s19 =	simm.s32 @p2 $0x13  }
0x27: {  	p3 =	sgt.s32 @!p1 s16, $0x368;
	s18 =	ssub.s32 @!p1 s19, s18  }
0x28: {  	p4 =	sgt.s32 @!p1 s17, $0xF80;
	s21 =	sshra.s32 @!p1 s17, $0x1F;
	s19 =	sadd.s32 @!p1 $0xFFFFFFED, s18  }
0x29: {  	s20 =	smov.u32 s16;
	p2 =	sgt.s32 @!p1 s19, $0x0;
	s19 =	sshra.s32 @!p1 s16, $0x1F  }
0x2a: {  	p4 =	por !p4, p1;
	s16 =	sand.u32 @!p1 s19, s16;
	s19 =	smov.u32 s17  }
0x2b: {  	p3 =	por !p3, p1;
	s17 =	sand.u32 @!p1 s21, s17;
	s19 =	simm.s32 @p4 $0xF80  }
0x2c: {  	s20 =	simm.s32 @p3 $0x368;
	s18 =	ssub.s32 @!p1 $0x14, s18;
	s17 =	ssub.s32 @!p1 s19, s17  }
0x2d: {  	p2 =	por !p2, p1;
	s16 =	ssub.s32 @!p1 s20, s16;
	s20 =	sadd.s32 @!p1 $0xFFFFF080, s17  }
0x2e: {  	s18 =	simm.s32 @!p2 $0x0;
	p3 =	sgt.s32 @!p1 s20, $0x7F  }
0x2f: {  	s19 =	sadd.s32 @!p1 $0xFFFFFC98, s16;
	s17 =	ssub.s32 @!p1 $0x1000, s17;
	p3 =	por !p3, p1  }
0x30: {  	p2 =	sgt.s32 @!p1 s19, $0x7F;
	s19 =	sadd.s32 $0x80, s12;
	s17 =	simm.s32 @!p3 $0x0  }
0x31: {  	p3 =	sgt.s32 s19, $0x3E7;
	s17 =	smul.u32 @!p1 s17, s18;
	s18 =	simm.s32 $0x1  }
0x32: {  	s16 =	ssub.s32 @!p1 $0x3E8, s16;
	p2 =	por !p2, p1;
	s18 =	simm.s32 @!p3 $0x0  }
0x33: {  	s21 =	smov.u32 s14;
	s16 =	simm.s32 @!p2 $0x0;
	s20 =	sadd.s32 s18, s13  }
0x34: {  	s16 =	smul.u32 @!p1 s16, s17;
	s17 =	sadd.s32 $0x1000, s14;
	p2 =	sgt.s32 s20, $0x13  }
0x35: {  	p0 =	por !p0, !p0;
	s22 =	simm.s32 @!p1 $0x2;
	s21 =	smov.u32 @p2 s17  }
0x36: {  	s19 =	simm.s32 @p3 $0x0;
	s20 =	simm.s32 @p2 $0x0;
	p2 =	sgt.s32 s21, $0xFFF  }
0x37: {  	s18 =	smov.u32 s10;
	s21 =	smov.u32 @p2 s2;
	p2 =	sne.s32 s15, s7  }
.Ltmp1:
0x38: {  	s10 =	smov.u32 s13;
	s16 =	sand.u32 @!p1 $0x3FFFFFFF, s16;
	(pc) =	sbr.rel @!p2 .LBB1_6-.Ltmp1, $4  }
0x39: {  	s17 =	smov.u32 s11;
	s11 =	smov.u32 s14;
	_ =	swait.ge @!p1 [sflag:s22], s16  }
0x3a: {  	s23 =	ssub.s32 @!p1 $0x0, s16;
	s16 =	smov.u32 s9;
	s9 =	smov.u32 s12  }
0x3b: {  	s12 =	smov.u32 s19;
	s13 =	smov.u32 s20;
	[sflag:s22] =	ssyncset.done @!p1 $0x0  }
0x3c: {  	s15 =	sadd.s32 $0x1, s15;
	[sflag:s22] =	ssyncadd.s32 @!p1 s23;
	s14 =	smov.u32 s21  }
.LBB1_1:
0x3d: {  	p1 =	sge.u32 s15, s5  }
0x3e: {  	s19 =	sshll.u32 @!p1 s13, $0xA  }
0x3f: {  	s20 =	sshll.u32 @!p1 s12, $0x3;
	s19 =	sand.u32 @!p1 $0xFFFFE000, s19  }
0x40: {  	s19 =	sadd.s32 @!p1 s19, s20  }
0x41: {  	s19 =	sshrl.u32 @!p1 s19, $0xA  }
0x42: {  	s20 =	smulhi.u32 @!p1 $0xAAAAAAB, s19  }
0x43: {  	s21 =	sshll.u32 @!p1 s13, $0x7;
	s23 =	smul.u32 @!p1 $0xC00, s14  }
0x44: {  	s22 =	sand.u32 @!p1 $0x78, s12;
	s21 =	sand.u32 @!p1 $0x380, s21;
	s20 =	smul.u32 @!p1 $0x18, s20  }
0x45: {  	s31 =	sadd.s32 $0xFFFFFFFF, s15;
	s21 =	sor.u32 @!p1 s22, s21;
	s22 =	sadd.s32 @!p1 s6, s23  }
0x46: {  	s21 =	sshrl.u32 @!p1 s21, $0x3;
	s19 =	ssub.s32 @!p1 s19, s20;
	s20 =	sxor.u32 @!p1 $0xFFFFFFFF, s15  }
0x47: {  	s21 =	sadd.s32 @!p1 s21, s22;
	s22 =	sand.u32 @!p1 $0x7, s12;
	s20 =	sshll.u32 @!p1 s20, $0xE  }
0x48: {  	s22 =	sshll.u32 @!p1 s22, $0x12;
	s19 =	sshll.u32 @!p1 s19, $0x7;
	s20 =	sand.u32 @!p1 $0x4000, s20  }
0x49: {  	s19 =	sadd.s32 @!p1 s19, s21;
	s21 =	sor.u32 @!p1 $0x80, s22;
	s22 =	simm.s32 @!p1 $0x6000  }
0x4a: {  	[tilespmem:s20], [sflag:$0x1] =	stream.strided.gather @!p1 [hbm4b:s19+s21], $0x4000, s22, s21, $0x38;
	[tilespmem:$0x10100] =	vst v63  }
0x4b: {  	p1 =	sge.u32 s31, s5  }
.Ltmp2:
0x4c: {  	_ = 	snop;
	(pc) =	sbr.rel @p1 .LBB1_5-.Ltmp2, $1  }
0x4d: {  	_ =	sdelay $0x3  }
0x4e: {  	s19 =	simm.s32 $0x1  }
0x4f: {  	_ =	swait.ge [sflag:s4], $0x4000;
	s19 =	simm.s32 @!p0 $0x0  }
0x50: {  	[sflag:s4] =	ssyncset.done $0x0;
	s20 =	sshll.u32 s19, $0xE  }
0x51: {  	[sflag:s4] =	ssyncadd.s32 $0xFFFFC000;
	s20 =	sor.u32 $0x40, s20  }
0x52: {  	s19 =	smul.u32 $0x10200, s19;
	v0 =	vld [tilespmem:s20+$0x30]  }
0x53: {  	v1 =	vld [tilespmem:s20+$0xFFFFFFD0]  }
0x54: {  	s19 =	sshrl.u32 s19, $0x2;
	v5 =	vld [tilespmem:s20+$0xFFFFFFE0]  }
0x55: {  	v6 =	vld [tilespmem:s20+$0xFFFFFFF0];
	s22 =	sor.u32 $0x8000, s19  }
0x56: {  	s31 =	sand.u32 $0x1, s15;
	v4 =	vld [tilespmem:s20+$0x0];
	s21 =	sadd.s32 $0x0, s22  }
0x57: {  	v3 =	vld [tilespmem:s20+$0x10];
	s19 =	smul.u32 $0x10200, s31;
	[tilespmem:s21+$0x3870 ss:$0x81] =	vst.msk $0xffff, v0  }
0x58: {  	v2 =	vld [tilespmem:s20+$0x20];
	[tilespmem:s21+$0x810 ss:$0x81] =	vst.msk $0xffff, v1  }
0x59: {  	s19 =	sshrl.u32 s19, $0x2;
	v1 =	vld [tilespmem:s20+$0xFFFFFFC0];
	[tilespmem:s21+$0x1020 ss:$0x81] =	vst.msk $0xffff, v5;
	s20 =	sadd.s32 $0x80, s20  }
0x5a: {  	s23 =	simm.s32 $0x4;
	s24 =	simm.s32 $0x8;
	s19 =	sor.u32 $0x8000, s19;
	[tilespmem:s21+$0x1830 ss:$0x81] =	vst.msk $0xffff, v6;
	v0 =	vld [tilespmem:s20+$0x30]  }
.LBB1_3:
0x5b: {  	p1 =	sne.s32 s24, $0x1FC;
	v5 =	vld [tilespmem:s20+$0xFFFFFFD0];
	[tilespmem:s21+$0x2040 ss:$0x81] =	vst.msk $0xffff, v4  }
0x5c: {  	v6 =	vld [tilespmem:s20+$0xFFFFFFE0];
	[tilespmem:s21+$0x2850 ss:$0x81] =	vst.msk $0xffff, v3  }
0x5d: {  	s25 =	sshra.s32 s23, $0x2;
	s23 =	smov.u32 s24;
	v7 =	vld [tilespmem:s20+$0xFFFFFFF0];
	[tilespmem:s21+$0x3060 ss:$0x81] =	vst.msk $0xffff, v2  }
.Ltmp3:
0x5e: {  	v4 =	vld [tilespmem:s20+$0x0];
	[tilespmem:s21+$0x0 ss:$0x81] =	vst.msk $0xffff, v1;
	s21 =	sadd.s32 s25, s22;
	(pc) =	sbr.rel @p1 .LBB1_3-.Ltmp3, $4  }
0x5f: {  	v3 =	vld [tilespmem:s20+$0x10];
	[tilespmem:s21+$0x3870 ss:$0x81] =	vst.msk $0xffff, v0  }
0x60: {  	[tilespmem:s21+$0x810 ss:$0x81] =	vst.msk $0xffff, v5;
	v2 =	vld [tilespmem:s20+$0x20]  }
0x61: {  	v1 =	vld [tilespmem:s20+$0xFFFFFFC0];
	[tilespmem:s21+$0x1020 ss:$0x81] =	vst.msk $0xffff, v6;
	s20 =	sadd.s32 $0x80, s20  }
0x62: {  	s24 =	sadd.s32 $0x4, s24;
	v0 =	vld [tilespmem:s20+$0x30];
	[tilespmem:s21+$0x1830 ss:$0x81] =	vst.msk $0xffff, v7  }
.Ltmp4:
0x63: {  	_ = 	snop;
	(pc) =	sbr.rel .LBB1_4-.Ltmp4, $1  }
0x64: {  	_ =	sdelay $0x3  }
.LBB1_6:
0x65: {  	_ =	sfence.sel $0x180000  }
0x66: {  	s2 =	simm.s32 $0x1;
	[bflag:$0x0] =	sbarrier.arrive $0xFFFF  }
0x67: {  	s31 =	simm.s32 $0x2;
	[sflag:s2] =	ssyncpa.u1 $0x1  }
0x68: {  	[sflag:s31] =	ssyncpa.u1 $0x1  }
0x69: {  	p0 =	sne.s32 s0, $0x0;
	_ =	strace $0x9000004A  }
0x6a: {  	s0 =	sadd.s32 @!p0 $0x100000, s1;
	[bflag:$0x2] =	sbarrier.arrive $0xFFFF  }
0x6b: {  	[sflag:s0] =	ssyncadd.tile.s32 @!p0 $0x1;
	_ =	shalt  }
.Lfunc_end1:
_tile_overlayer_lowered:
.L_overlay_start_2:
0x6c: {  	(tag) =	ssettag $0x2  }
0x6d: {  	s0 =	rddreg [dreg:$0x0];
	s2 =	stileid.u32  }
0x6e: {  	s1 =	rddreg [dreg:$0x1];
	p0 =	sne.s32 s2, $0x0  }
0x6f: {  	s3 =	rddreg [dreg:$0x2];
	[bflag:$0x3] =	sbarrier.arrive $0xFFFF;
	s2 =	simm.s32 @!p0 $0x1C01  }
0x70: {  	[timem:s3], [sflag:s2] =	dma.local @!p0 [hbm:s0], s1  }
0x71: {  	s0 =	simm.s32 @!p0 $0x1  }
0x72: {  	_ =	swait.ge @!p0 [sflag:s0], s1  }
0x73: {  	s1 =	ssub.s32 @!p0 $0x0, s1;
	[sflag:s0] =	ssyncset.done @!p0 $0x0  }
0x74: {  	[sflag:s0] =	ssyncadd.s32 @!p0 s1  }
0x75: {  	[bflag:$0x3] =	sbarrier.arrive $0xFFFF  }
0x76: {  	_ =	shalt  }

</sc_bundles>
